<compile_context>
chip_gen: v7x
topology: tpu7x:2x2x1
jax: 0.10.2.dev20260603
libtpu: 0.0.44.dev20260713+nightly
codegen_flags: <defaults>
</compile_context>

<pallas_src>
import functools

import jax
import jax.numpy as jnp
from jax import lax
from jax.experimental import pallas as pl
from jax.experimental.pallas import tpu as pltpu
from jax.experimental.pallas import tpu_sc as plsc

OUT_ROWS = 4096
DIM = 4096
NUM_CORES = 2
NUM_SUBCORES = 16
NUM_WORKERS = NUM_CORES * NUM_SUBCORES
ROWS_PER_W = OUT_ROWS // NUM_WORKERS
CHUNK = 8
NCHUNK = ROWS_PER_W // CHUNK


def _sc_body(nst_hbm, table_hbm, out_hbm, idx_v, shared,
             gsem0, gsem1, ssem0, ssem1):
    sid = lax.axis_index("s")
    wid = sid * NUM_CORES + lax.axis_index("c")
    pltpu.sync_copy(nst_hbm, idx_v.at[pl.ds(0, 1)])
    start = idx_v[...][0] - OUT_ROWS
    base = wid * ROWS_PER_W

    gsems = (gsem0, gsem1)
    ssems = (ssem0, ssem1)

    def gather(c, slot):
        src = pl.multiple_of(start + (base + c * CHUNK), 8)
        return pltpu.make_async_copy(
            table_hbm.at[pl.ds(src, CHUNK)], shared.at[sid, slot], gsems[slot])

    def scatter(c, slot):
        return pltpu.make_async_copy(
            shared.at[sid, slot],
            out_hbm.at[pl.ds(base + c * CHUNK, CHUNK)], ssems[slot])

    gather(0, 0).start()
    gather(1, 1).start()
    gather(0, 0).wait()
    scatter(0, 0).start()

    def body(g, carry):
        c1 = 2 * g + 1
        gather(c1, 1).wait()
        scatter(c1, 1).start()
        scatter(c1 - 1, 0).wait()
        gather(c1 + 1, 0).start()
        c2 = 2 * g + 2
        gather(c2, 0).wait()
        scatter(c2, 0).start()
        scatter(c2 - 1, 1).wait()
        gather(c2 + 1, 1).start()
        return carry

    lax.fori_loop(0, (NCHUNK - 2) // 2, body, 0)

    gather(NCHUNK - 1, 1).wait()
    scatter(NCHUNK - 1, 1).start()
    scatter(NCHUNK - 2, 0).wait()
    scatter(NCHUNK - 1, 1).wait()


_sc_copy = functools.partial(
    pl.kernel,
    mesh=plsc.VectorSubcoreMesh(core_axis_name="c", subcore_axis_name="s"),
    out_type=jax.ShapeDtypeStruct((OUT_ROWS, DIM), jnp.float32),
    scratch_types=[
        pltpu.VMEM((16,), jnp.int32),
        pltpu.VMEM_SHARED((NUM_SUBCORES, 2, CHUNK, DIM), jnp.float32),
        pltpu.SemaphoreType.DMA,
        pltpu.SemaphoreType.DMA,
        pltpu.SemaphoreType.DMA,
        pltpu.SemaphoreType.DMA,
    ],
)(_sc_body)


def kernel(pos_emb_weight, n_timesteps):
    nst = jnp.asarray(n_timesteps, jnp.int32).reshape((1,))
    return _sc_copy(nst, pos_emb_weight)

# --- scband reference (transcript-rebuilt; emitter-appended) ---
"""Pipeline reference for scband-learned-pos-embedding-75771813036856 (READ-ONLY COPY).

The authoritative reference and input builder live on the scoring server;
editing this copy changes nothing except your own understanding.
"""

import jax, jax.numpy as jnp
from jax import lax
import numpy as np

MAX_SEQ_LENGTH = 8192
EMBEDDING_DIM = 4096

def setup_inputs(seed: int = 0) -> dict:
    key = jax.random.key(seed)
    k1, _ = jax.random.split(key)
    pos_emb_weight = jax.random.normal(k1, (MAX_SEQ_LENGTH, EMBEDDING_DIM), dtype=jnp.float32)
    n_timesteps = 4096
    return {"pos_emb_weight": pos_emb_weight, "n_timesteps": n_timesteps}

def reference(pos_emb_weight, n_timesteps):
    # Faithful translation of: return self.pos_emb.weight[:n_timesteps]
    N_TIMESTEPS = 4096
    start = n_timesteps - N_TIMESTEPS
    return lax.dynamic_slice_in_dim(pos_emb_weight, start, N_TIMESTEPS, axis=0)

if __name__ == "__main__":
    import jax
    _d = setup_inputs()
    print(jax.jit(kernel)(*tuple(_d.values())))

</pallas_src>

<mosaic_0001>
#map = affine_map<(d0, d1) -> (0)>
#map1 = affine_map<(d0, d1) -> (0, 0)>
module attributes {stable_mosaic.version = 14 : i64} {
  func.func @_sc_body(%arg0: i32, %arg1: i32, %arg2: memref<1xi32, #tpu.memory_space<hbm>>, %arg3: memref<8192x4096xf32, #tpu.memory_space<hbm>>, %arg4: memref<4096x4096xf32, #tpu.memory_space<hbm>>, %arg5: memref<16xi32, #tpu.memory_space<vmem>>, %arg6: memref<16x2x8x4096xf32, #tpu.memory_space<vmem_shared>>, %arg7: memref<!tpu.dma_semaphore, #tpu.memory_space<semaphore_mem>>, %arg8: memref<!tpu.dma_semaphore, #tpu.memory_space<semaphore_mem>>, %arg9: memref<!tpu.dma_semaphore, #tpu.memory_space<semaphore_mem>>, %arg10: memref<!tpu.dma_semaphore, #tpu.memory_space<semaphore_mem>>) attributes {dimension_semantics = [#tpu.dimension_semantics<core_parallel>, #tpu.dimension_semantics<subcore_parallel>], iteration_bounds = array<i64: 2, 16>, scalar_prefetch = 0 : i64, scratch_operands = 6 : i64, tpu.core_type = #tpu.core_type<sc_vector_subcore>, window_params = [{transform_indices = #map}, {transform_indices = #map1}, {transform_indices = #map1}]} {
    %mul3A = arith.constant 2 : i32
    %mul3A_0 = arith.muli %arg1, %mul3A : i32
    %add3A = arith.addi %mul3A_0, %arg0 : i32
    "tpu.region"() ({
      %run_scoped3A = tpu.sem_alloc : memref<!tpu.dma_semaphore, #tpu.memory_space<semaphore_mem>>
      %dma_start3A_88 = arith.constant 0 : i32
      %dma_start3A_89 = tpu.memref_slice %arg5[%dma_start3A_88] : memref<16xi32, #tpu.memory_space<vmem>> -> memref<1xi32, #tpu.memory_space<vmem>>
      %dma_start3A_90 = arith.constant 0 : i32
      %dma_start3A_91 = tpu.memref_slice %arg5[%dma_start3A_90] : memref<16xi32, #tpu.memory_space<vmem>> -> memref<1xi32, #tpu.memory_space<vmem>>
      tpu.enqueue_dma source(%arg2 : memref<1xi32, #tpu.memory_space<hbm>>) target(%dma_start3A_91 : memref<1xi32, #tpu.memory_space<vmem>>) target_semaphore(%run_scoped3A : memref<!tpu.dma_semaphore, #tpu.memory_space<semaphore_mem>>)
      %dma_wait3A_92 = arith.constant 0 : i32
      %dma_wait3A_93 = tpu.memref_slice %arg5[%dma_wait3A_92] : memref<16xi32, #tpu.memory_space<vmem>> -> memref<1xi32, #tpu.memory_space<vmem>>
      %dma_wait3A_94 = arith.constant 0 : i32
      %dma_wait3A_95 = tpu.memref_slice %arg5[%dma_wait3A_94] : memref<16xi32, #tpu.memory_space<vmem>> -> memref<1xi32, #tpu.memory_space<vmem>>
      tpu.wait_dma2 semaphore(%run_scoped3A : memref<!tpu.dma_semaphore, #tpu.memory_space<semaphore_mem>>) src(%arg2 : memref<1xi32, #tpu.memory_space<hbm>>) dst(%dma_wait3A_95 : memref<1xi32, #tpu.memory_space<vmem>>)
      tpu.yield
    }) : () -> ()
    %get3A = arith.constant 0 : index
    %get3A_1 = tpu.vector_load %arg5[%get3A] {strides = array<i32>} : memref<16xi32, #tpu.memory_space<vmem>>, vector<16xi32>,
    %get3A_2 = vector.shape_cast %get3A_1 : vector<16xi32> to vector<16xi32>
    %slice3A = vector.extract_strided_slice %get3A_2 {offsets = [0], sizes = [1], strides = [1]} : vector<16xi32> to vector<1xi32>
    %squeeze3A = vector.extract %slice3A[0] : i32 from vector<1xi32>
    %sub3A = arith.constant 4096 : i32
    %sub3A_3 = arith.subi %squeeze3A, %sub3A : i32
    %mul3A_4 = arith.constant 128 : i32
    %mul3A_5 = arith.muli %add3A, %mul3A_4 : i32
    %add3A_6 = arith.constant 0 : i32
    %add3A_7 = arith.addi %mul3A_5, %add3A_6 : i32
    %add3A_8 = arith.addi %sub3A_3, %add3A_7 : i32
    %multiple_of3A = tpu.assume_multiple %add3A_8, 8 : i32
    %dma_start3A = arith.constant 0 : i32
    %dma_start3A_9 = arith.constant 0 : i32
    %dma_start3A_10 = arith.constant 0 : i32
    %dma_start3A_11 = tpu.memref_slice %arg6[%arg1, %dma_start3A, %dma_start3A_9, %dma_start3A_10] : memref<16x2x8x4096xf32, #tpu.memory_space<vmem_shared>> -> memref<1x1x8x4096xf32, #tpu.memory_space<vmem_shared>>
    %dma_start3A_12 = tpu.memref_squeeze %dma_start3A_11 : memref<1x1x8x4096xf32, #tpu.memory_space<vmem_shared>> -> memref<8x4096xf32, #tpu.memory_space<vmem_shared>>
    %dma_start3A_13 = arith.constant 0 : i32
    %dma_start3A_14 = tpu.memref_slice %arg3[%multiple_of3A, %dma_start3A_13] : memref<8192x4096xf32, #tpu.memory_space<hbm>> -> memref<8x4096xf32, #tpu.memory_space<hbm>>
    tpu.enqueue_dma source(%dma_start3A_14 : memref<8x4096xf32, #tpu.memory_space<hbm>>) target(%dma_start3A_12 : memref<8x4096xf32, #tpu.memory_space<vmem_shared>>) target_semaphore(%arg7 : memref<!tpu.dma_semaphore, #tpu.memory_space<semaphore_mem>>)
    %add3A_15 = arith.constant 8 : i32
    %add3A_16 = arith.addi %mul3A_5, %add3A_15 : i32
    %add3A_17 = arith.addi %sub3A_3, %add3A_16 : i32
    %multiple_of3A_18 = tpu.assume_multiple %add3A_17, 8 : i32
    %dma_start3A_19 = arith.constant 1 : i32
    %dma_start3A_20 = arith.constant 0 : i32
    %dma_start3A_21 = arith.constant 0 : i32
    %dma_start3A_22 = tpu.memref_slice %arg6[%arg1, %dma_start3A_19, %dma_start3A_20, %dma_start3A_21] : memref<16x2x8x4096xf32, #tpu.memory_space<vmem_shared>> -> memref<1x1x8x4096xf32, #tpu.memory_space<vmem_shared>>
    %dma_start3A_23 = tpu.memref_squeeze %dma_start3A_22 : memref<1x1x8x4096xf32, #tpu.memory_space<vmem_shared>> -> memref<8x4096xf32, #tpu.memory_space<vmem_shared>>
    %dma_start3A_24 = arith.constant 0 : i32
    %dma_start3A_25 = tpu.memref_slice %arg3[%multiple_of3A_18, %dma_start3A_24] : memref<8192x4096xf32, #tpu.memory_space<hbm>> -> memref<8x4096xf32, #tpu.memory_space<hbm>>
    tpu.enqueue_dma source(%dma_start3A_25 : memref<8x4096xf32, #tpu.memory_space<hbm>>) target(%dma_start3A_23 : memref<8x4096xf32, #tpu.memory_space<vmem_shared>>) target_semaphore(%arg8 : memref<!tpu.dma_semaphore, #tpu.memory_space<semaphore_mem>>)
    %add3A_26 = arith.constant 0 : i32
    %add3A_27 = arith.addi %mul3A_5, %add3A_26 : i32
    %add3A_28 = arith.addi %sub3A_3, %add3A_27 : i32
    %multiple_of3A_29 = tpu.assume_multiple %add3A_28, 8 : i32
    %dma_wait3A = arith.constant 0 : i32
    %dma_wait3A_30 = arith.constant 0 : i32
    %dma_wait3A_31 = arith.constant 0 : i32
    %dma_wait3A_32 = tpu.memref_slice %arg6[%arg1, %dma_wait3A, %dma_wait3A_30, %dma_wait3A_31] : memref<16x2x8x4096xf32, #tpu.memory_space<vmem_shared>> -> memref<1x1x8x4096xf32, #tpu.memory_space<vmem_shared>>
    %dma_wait3A_33 = tpu.memref_squeeze %dma_wait3A_32 : memref<1x1x8x4096xf32, #tpu.memory_space<vmem_shared>> -> memref<8x4096xf32, #tpu.memory_space<vmem_shared>>
    %dma_wait3A_34 = arith.constant 0 : i32
    %dma_wait3A_35 = tpu.memref_slice %arg3[%multiple_of3A_29, %dma_wait3A_34] : memref<8192x4096xf32, #tpu.memory_space<hbm>> -> memref<8x4096xf32, #tpu.memory_space<hbm>>
    tpu.wait_dma2 semaphore(%arg7 : memref<!tpu.dma_semaphore, #tpu.memory_space<semaphore_mem>>) src(%dma_wait3A_35 : memref<8x4096xf32, #tpu.memory_space<hbm>>) dst(%dma_wait3A_33 : memref<8x4096xf32, #tpu.memory_space<vmem_shared>>)
    %add3A_36 = arith.constant 0 : i32
    %add3A_37 = arith.addi %mul3A_5, %add3A_36 : i32
    %dma_start3A_38 = arith.constant 0 : i32
    %dma_start3A_39 = arith.constant 0 : i32
    %dma_start3A_40 = tpu.memref_slice %arg4[%add3A_37, %dma_start3A_39] : memref<4096x4096xf32, #tpu.memory_space<hbm>> -> memref<8x4096xf32, #tpu.memory_space<hbm>>
    %dma_start3A_41 = arith.constant 0 : i32
    %dma_start3A_42 = arith.constant 0 : i32
    %dma_start3A_43 = tpu.memref_slice %arg6[%arg1, %dma_start3A_38, %dma_start3A_41, %dma_start3A_42] : memref<16x2x8x4096xf32, #tpu.memory_space<vmem_shared>> -> memref<1x1x8x4096xf32, #tpu.memory_space<vmem_shared>>
    %dma_start3A_44 = tpu.memref_squeeze %dma_start3A_43 : memref<1x1x8x4096xf32, #tpu.memory_space<vmem_shared>> -> memref<8x4096xf32, #tpu.memory_space<vmem_shared>>
    tpu.enqueue_dma source(%dma_start3A_44 : memref<8x4096xf32, #tpu.memory_space<vmem_shared>>) target(%dma_start3A_40 : memref<8x4096xf32, #tpu.memory_space<hbm>>) target_semaphore(%arg9 : memref<!tpu.dma_semaphore, #tpu.memory_space<semaphore_mem>>)
    %scan3A = arith.constant 0 : i32
    %scan3A_45 = arith.constant 0 : i32
    %scan3A_46 = arith.constant 7 : i32
    %scan3A_47 = arith.addi %scan3A_45, %scan3A_46 : i32
    %scan3A_48 = arith.constant 1 : i32
    scf.for %scan3A_88 = %scan3A_45 to %scan3A_47 step %scan3A_48  : i32 {
      %mul3A_89 = arith.constant 2 : i32
      %mul3A_90 = arith.muli %mul3A_89, %scan3A_88 : i32
      %add3A_91 = arith.constant 1 : i32
      %add3A_92 = arith.addi %mul3A_90, %add3A_91 : i32
      %mul3A_93 = arith.constant 8 : i32
      %mul3A_94 = arith.muli %add3A_92, %mul3A_93 : i32
      %add3A_95 = arith.addi %mul3A_5, %mul3A_94 : i32
      %add3A_96 = arith.addi %sub3A_3, %add3A_95 : i32
      %multiple_of3A_97 = tpu.assume_multiple %add3A_96, 8 : i32
      %dma_wait3A_98 = arith.constant 1 : i32
      %dma_wait3A_99 = arith.constant 0 : i32
      %dma_wait3A_100 = arith.constant 0 : i32
      %dma_wait3A_101 = tpu.memref_slice %arg6[%arg1, %dma_wait3A_98, %dma_wait3A_99, %dma_wait3A_100] : memref<16x2x8x4096xf32, #tpu.memory_space<vmem_shared>> -> memref<1x1x8x4096xf32, #tpu.memory_space<vmem_shared>>
      %dma_wait3A_102 = tpu.memref_squeeze %dma_wait3A_101 : memref<1x1x8x4096xf32, #tpu.memory_space<vmem_shared>> -> memref<8x4096xf32, #tpu.memory_space<vmem_shared>>
      %dma_wait3A_103 = arith.constant 0 : i32
      %dma_wait3A_104 = tpu.memref_slice %arg3[%multiple_of3A_97, %dma_wait3A_103] : memref<8192x4096xf32, #tpu.memory_space<hbm>> -> memref<8x4096xf32, #tpu.memory_space<hbm>>
      tpu.wait_dma2 semaphore(%arg8 : memref<!tpu.dma_semaphore, #tpu.memory_space<semaphore_mem>>) src(%dma_wait3A_104 : memref<8x4096xf32, #tpu.memory_space<hbm>>) dst(%dma_wait3A_102 : memref<8x4096xf32, #tpu.memory_space<vmem_shared>>)
      %mul3A_105 = arith.constant 8 : i32
      %mul3A_106 = arith.muli %add3A_92, %mul3A_105 : i32
      %add3A_107 = arith.addi %mul3A_5, %mul3A_106 : i32
      %dma_start3A_108 = arith.constant 1 : i32
      %dma_start3A_109 = arith.constant 0 : i32
      %dma_start3A_110 = tpu.memref_slice %arg4[%add3A_107, %dma_start3A_109] : memref<4096x4096xf32, #tpu.memory_space<hbm>> -> memref<8x4096xf32, #tpu.memory_space<hbm>>
      %dma_start3A_111 = arith.constant 0 : i32
      %dma_start3A_112 = arith.constant 0 : i32
      %dma_start3A_113 = tpu.memref_slice %arg6[%arg1, %dma_start3A_108, %dma_start3A_111, %dma_start3A_112] : memref<16x2x8x4096xf32, #tpu.memory_space<vmem_shared>> -> memref<1x1x8x4096xf32, #tpu.memory_space<vmem_shared>>
      %dma_start3A_114 = tpu.memref_squeeze %dma_start3A_113 : memref<1x1x8x4096xf32, #tpu.memory_space<vmem_shared>> -> memref<8x4096xf32, #tpu.memory_space<vmem_shared>>
      tpu.enqueue_dma source(%dma_start3A_114 : memref<8x4096xf32, #tpu.memory_space<vmem_shared>>) target(%dma_start3A_110 : memref<8x4096xf32, #tpu.memory_space<hbm>>) target_semaphore(%arg10 : memref<!tpu.dma_semaphore, #tpu.memory_space<semaphore_mem>>)
      %sub3A_115 = arith.constant 1 : i32
      %sub3A_116 = arith.subi %add3A_92, %sub3A_115 : i32
      %mul3A_117 = arith.constant 8 : i32
      %mul3A_118 = arith.muli %sub3A_116, %mul3A_117 : i32
      %add3A_119 = arith.addi %mul3A_5, %mul3A_118 : i32
      %dma_wait3A_120 = arith.constant 0 : i32
      %dma_wait3A_121 = arith.constant 0 : i32
      %dma_wait3A_122 = tpu.memref_slice %arg4[%add3A_119, %dma_wait3A_121] : memref<4096x4096xf32, #tpu.memory_space<hbm>> -> memref<8x4096xf32, #tpu.memory_space<hbm>>
      %dma_wait3A_123 = arith.constant 0 : i32
      %dma_wait3A_124 = arith.constant 0 : i32
      %dma_wait3A_125 = tpu.memref_slice %arg6[%arg1, %dma_wait3A_120, %dma_wait3A_123, %dma_wait3A_124] : memref<16x2x8x4096xf32, #tpu.memory_space<vmem_shared>> -> memref<1x1x8x4096xf32, #tpu.memory_space<vmem_shared>>
      %dma_wait3A_126 = tpu.memref_squeeze %dma_wait3A_125 : memref<1x1x8x4096xf32, #tpu.memory_space<vmem_shared>> -> memref<8x4096xf32, #tpu.memory_space<vmem_shared>>
      tpu.wait_dma2 semaphore(%arg9 : memref<!tpu.dma_semaphore, #tpu.memory_space<semaphore_mem>>) src(%dma_wait3A_126 : memref<8x4096xf32, #tpu.memory_space<vmem_shared>>) dst(%dma_wait3A_122 : memref<8x4096xf32, #tpu.memory_space<hbm>>)
      %add3A_127 = arith.constant 1 : i32
      %add3A_128 = arith.addi %add3A_92, %add3A_127 : i32
      %mul3A_129 = arith.constant 8 : i32
      %mul3A_130 = arith.muli %add3A_128, %mul3A_129 : i32
      %add3A_131 = arith.addi %mul3A_5, %mul3A_130 : i32
      %add3A_132 = arith.addi %sub3A_3, %add3A_131 : i32
      %multiple_of3A_133 = tpu.assume_multiple %add3A_132, 8 : i32
      %dma_start3A_134 = arith.constant 0 : i32
      %dma_start3A_135 = arith.constant 0 : i32
      %dma_start3A_136 = arith.constant 0 : i32
      %dma_start3A_137 = tpu.memref_slice %arg6[%arg1, %dma_start3A_134, %dma_start3A_135, %dma_start3A_136] : memref<16x2x8x4096xf32, #tpu.memory_space<vmem_shared>> -> memref<1x1x8x4096xf32, #tpu.memory_space<vmem_shared>>
      %dma_start3A_138 = tpu.memref_squeeze %dma_start3A_137 : memref<1x1x8x4096xf32, #tpu.memory_space<vmem_shared>> -> memref<8x4096xf32, #tpu.memory_space<vmem_shared>>
      %dma_start3A_139 = arith.constant 0 : i32
      %dma_start3A_140 = tpu.memref_slice %arg3[%multiple_of3A_133, %dma_start3A_139] : memref<8192x4096xf32, #tpu.memory_space<hbm>> -> memref<8x4096xf32, #tpu.memory_space<hbm>>
      tpu.enqueue_dma source(%dma_start3A_140 : memref<8x4096xf32, #tpu.memory_space<hbm>>) target(%dma_start3A_138 : memref<8x4096xf32, #tpu.memory_space<vmem_shared>>) target_semaphore(%arg7 : memref<!tpu.dma_semaphore, #tpu.memory_space<semaphore_mem>>)
      %mul3A_141 = arith.constant 2 : i32
      %mul3A_142 = arith.muli %mul3A_141, %scan3A_88 : i32
      %add3A_143 = arith.constant 2 : i32
      %add3A_144 = arith.addi %mul3A_142, %add3A_143 : i32
      %mul3A_145 = arith.constant 8 : i32
      %mul3A_146 = arith.muli %add3A_144, %mul3A_145 : i32
      %add3A_147 = arith.addi %mul3A_5, %mul3A_146 : i32
      %add3A_148 = arith.addi %sub3A_3, %add3A_147 : i32
      %multiple_of3A_149 = tpu.assume_multiple %add3A_148, 8 : i32
      %dma_wait3A_150 = arith.constant 0 : i32
      %dma_wait3A_151 = arith.constant 0 : i32
      %dma_wait3A_152 = arith.constant 0 : i32
      %dma_wait3A_153 = tpu.memref_slice %arg6[%arg1, %dma_wait3A_150, %dma_wait3A_151, %dma_wait3A_152] : memref<16x2x8x4096xf32, #tpu.memory_space<vmem_shared>> -> memref<1x1x8x4096xf32, #tpu.memory_space<vmem_shared>>
      %dma_wait3A_154 = tpu.memref_squeeze %dma_wait3A_153 : memref<1x1x8x4096xf32, #tpu.memory_space<vmem_shared>> -> memref<8x4096xf32, #tpu.memory_space<vmem_shared>>
      %dma_wait3A_155 = arith.constant 0 : i32
      %dma_wait3A_156 = tpu.memref_slice %arg3[%multiple_of3A_149, %dma_wait3A_155] : memref<8192x4096xf32, #tpu.memory_space<hbm>> -> memref<8x4096xf32, #tpu.memory_space<hbm>>
      tpu.wait_dma2 semaphore(%arg7 : memref<!tpu.dma_semaphore, #tpu.memory_space<semaphore_mem>>) src(%dma_wait3A_156 : memref<8x4096xf32, #tpu.memory_space<hbm>>) dst(%dma_wait3A_154 : memref<8x4096xf32, #tpu.memory_space<vmem_shared>>)
      %mul3A_157 = arith.constant 8 : i32
      %mul3A_158 = arith.muli %add3A_144, %mul3A_157 : i32
      %add3A_159 = arith.addi %mul3A_5, %mul3A_158 : i32
      %dma_start3A_160 = arith.constant 0 : i32
      %dma_start3A_161 = arith.constant 0 : i32
      %dma_start3A_162 = tpu.memref_slice %arg4[%add3A_159, %dma_start3A_161] : memref<4096x4096xf32, #tpu.memory_space<hbm>> -> memref<8x4096xf32, #tpu.memory_space<hbm>>
      %dma_start3A_163 = arith.constant 0 : i32
      %dma_start3A_164 = arith.constant 0 : i32
      %dma_start3A_165 = tpu.memref_slice %arg6[%arg1, %dma_start3A_160, %dma_start3A_163, %dma_start3A_164] : memref<16x2x8x4096xf32, #tpu.memory_space<vmem_shared>> -> memref<1x1x8x4096xf32, #tpu.memory_space<vmem_shared>>
      %dma_start3A_166 = tpu.memref_squeeze %dma_start3A_165 : memref<1x1x8x4096xf32, #tpu.memory_space<vmem_shared>> -> memref<8x4096xf32, #tpu.memory_space<vmem_shared>>
      tpu.enqueue_dma source(%dma_start3A_166 : memref<8x4096xf32, #tpu.memory_space<vmem_shared>>) target(%dma_start3A_162 : memref<8x4096xf32, #tpu.memory_space<hbm>>) target_semaphore(%arg9 : memref<!tpu.dma_semaphore, #tpu.memory_space<semaphore_mem>>)
      %sub3A_167 = arith.constant 1 : i32
      %sub3A_168 = arith.subi %add3A_144, %sub3A_167 : i32
      %mul3A_169 = arith.constant 8 : i32
      %mul3A_170 = arith.muli %sub3A_168, %mul3A_169 : i32
      %add3A_171 = arith.addi %mul3A_5, %mul3A_170 : i32
      %dma_wait3A_172 = arith.constant 1 : i32
      %dma_wait3A_173 = arith.constant 0 : i32
      %dma_wait3A_174 = tpu.memref_slice %arg4[%add3A_171, %dma_wait3A_173] : memref<4096x4096xf32, #tpu.memory_space<hbm>> -> memref<8x4096xf32, #tpu.memory_space<hbm>>
      %dma_wait3A_175 = arith.constant 0 : i32
      %dma_wait3A_176 = arith.constant 0 : i32
      %dma_wait3A_177 = tpu.memref_slice %arg6[%arg1, %dma_wait3A_172, %dma_wait3A_175, %dma_wait3A_176] : memref<16x2x8x4096xf32, #tpu.memory_space<vmem_shared>> -> memref<1x1x8x4096xf32, #tpu.memory_space<vmem_shared>>
      %dma_wait3A_178 = tpu.memref_squeeze %dma_wait3A_177 : memref<1x1x8x4096xf32, #tpu.memory_space<vmem_shared>> -> memref<8x4096xf32, #tpu.memory_space<vmem_shared>>
      tpu.wait_dma2 semaphore(%arg10 : memref<!tpu.dma_semaphore, #tpu.memory_space<semaphore_mem>>) src(%dma_wait3A_178 : memref<8x4096xf32, #tpu.memory_space<vmem_shared>>) dst(%dma_wait3A_174 : memref<8x4096xf32, #tpu.memory_space<hbm>>)
      %add3A_179 = arith.constant 1 : i32
      %add3A_180 = arith.addi %add3A_144, %add3A_179 : i32
      %mul3A_181 = arith.constant 8 : i32
      %mul3A_182 = arith.muli %add3A_180, %mul3A_181 : i32
      %add3A_183 = arith.addi %mul3A_5, %mul3A_182 : i32
      %add3A_184 = arith.addi %sub3A_3, %add3A_183 : i32
      %multiple_of3A_185 = tpu.assume_multiple %add3A_184, 8 : i32
      %dma_start3A_186 = arith.constant 1 : i32
      %dma_start3A_187 = arith.constant 0 : i32
      %dma_start3A_188 = arith.constant 0 : i32
      %dma_start3A_189 = tpu.memref_slice %arg6[%arg1, %dma_start3A_186, %dma_start3A_187, %dma_start3A_188] : memref<16x2x8x4096xf32, #tpu.memory_space<vmem_shared>> -> memref<1x1x8x4096xf32, #tpu.memory_space<vmem_shared>>
      %dma_start3A_190 = tpu.memref_squeeze %dma_start3A_189 : memref<1x1x8x4096xf32, #tpu.memory_space<vmem_shared>> -> memref<8x4096xf32, #tpu.memory_space<vmem_shared>>
      %dma_start3A_191 = arith.constant 0 : i32
      %dma_start3A_192 = tpu.memref_slice %arg3[%multiple_of3A_185, %dma_start3A_191] : memref<8192x4096xf32, #tpu.memory_space<hbm>> -> memref<8x4096xf32, #tpu.memory_space<hbm>>
      tpu.enqueue_dma source(%dma_start3A_192 : memref<8x4096xf32, #tpu.memory_space<hbm>>) target(%dma_start3A_190 : memref<8x4096xf32, #tpu.memory_space<vmem_shared>>) target_semaphore(%arg8 : memref<!tpu.dma_semaphore, #tpu.memory_space<semaphore_mem>>)
    }
    %scan3A_49 = arith.constant 7 : i32
    %add3A_50 = arith.constant 120 : i32
    %add3A_51 = arith.addi %mul3A_5, %add3A_50 : i32
    %add3A_52 = arith.addi %sub3A_3, %add3A_51 : i32
    %multiple_of3A_53 = tpu.assume_multiple %add3A_52, 8 : i32
    %dma_wait3A_54 = arith.constant 1 : i32
    %dma_wait3A_55 = arith.constant 0 : i32
    %dma_wait3A_56 = arith.constant 0 : i32
    %dma_wait3A_57 = tpu.memref_slice %arg6[%arg1, %dma_wait3A_54, %dma_wait3A_55, %dma_wait3A_56] : memref<16x2x8x4096xf32, #tpu.memory_space<vmem_shared>> -> memref<1x1x8x4096xf32, #tpu.memory_space<vmem_shared>>
    %dma_wait3A_58 = tpu.memref_squeeze %dma_wait3A_57 : memref<1x1x8x4096xf32, #tpu.memory_space<vmem_shared>> -> memref<8x4096xf32, #tpu.memory_space<vmem_shared>>
    %dma_wait3A_59 = arith.constant 0 : i32
    %dma_wait3A_60 = tpu.memref_slice %arg3[%multiple_of3A_53, %dma_wait3A_59] : memref<8192x4096xf32, #tpu.memory_space<hbm>> -> memref<8x4096xf32, #tpu.memory_space<hbm>>
    tpu.wait_dma2 semaphore(%arg8 : memref<!tpu.dma_semaphore, #tpu.memory_space<semaphore_mem>>) src(%dma_wait3A_60 : memref<8x4096xf32, #tpu.memory_space<hbm>>) dst(%dma_wait3A_58 : memref<8x4096xf32, #tpu.memory_space<vmem_shared>>)
    %add3A_61 = arith.constant 120 : i32
    %add3A_62 = arith.addi %mul3A_5, %add3A_61 : i32
    %dma_start3A_63 = arith.constant 1 : i32
    %dma_start3A_64 = arith.constant 0 : i32
    %dma_start3A_65 = tpu.memref_slice %arg4[%add3A_62, %dma_start3A_64] : memref<4096x4096xf32, #tpu.memory_space<hbm>> -> memref<8x4096xf32, #tpu.memory_space<hbm>>
    %dma_start3A_66 = arith.constant 0 : i32
    %dma_start3A_67 = arith.constant 0 : i32
    %dma_start3A_68 = tpu.memref_slice %arg6[%arg1, %dma_start3A_63, %dma_start3A_66, %dma_start3A_67] : memref<16x2x8x4096xf32, #tpu.memory_space<vmem_shared>> -> memref<1x1x8x4096xf32, #tpu.memory_space<vmem_shared>>
    %dma_start3A_69 = tpu.memref_squeeze %dma_start3A_68 : memref<1x1x8x4096xf32, #tpu.memory_space<vmem_shared>> -> memref<8x4096xf32, #tpu.memory_space<vmem_shared>>
    tpu.enqueue_dma source(%dma_start3A_69 : memref<8x4096xf32, #tpu.memory_space<vmem_shared>>) target(%dma_start3A_65 : memref<8x4096xf32, #tpu.memory_space<hbm>>) target_semaphore(%arg10 : memref<!tpu.dma_semaphore, #tpu.memory_space<semaphore_mem>>)
    %add3A_70 = arith.constant 112 : i32
    %add3A_71 = arith.addi %mul3A_5, %add3A_70 : i32
    %dma_wait3A_72 = arith.constant 0 : i32
    %dma_wait3A_73 = arith.constant 0 : i32
    %dma_wait3A_74 = tpu.memref_slice %arg4[%add3A_71, %dma_wait3A_73] : memref<4096x4096xf32, #tpu.memory_space<hbm>> -> memref<8x4096xf32, #tpu.memory_space<hbm>>
    %dma_wait3A_75 = arith.constant 0 : i32
    %dma_wait3A_76 = arith.constant 0 : i32
    %dma_wait3A_77 = tpu.memref_slice %arg6[%arg1, %dma_wait3A_72, %dma_wait3A_75, %dma_wait3A_76] : memref<16x2x8x4096xf32, #tpu.memory_space<vmem_shared>> -> memref<1x1x8x4096xf32, #tpu.memory_space<vmem_shared>>
    %dma_wait3A_78 = tpu.memref_squeeze %dma_wait3A_77 : memref<1x1x8x4096xf32, #tpu.memory_space<vmem_shared>> -> memref<8x4096xf32, #tpu.memory_space<vmem_shared>>
    tpu.wait_dma2 semaphore(%arg9 : memref<!tpu.dma_semaphore, #tpu.memory_space<semaphore_mem>>) src(%dma_wait3A_78 : memref<8x4096xf32, #tpu.memory_space<vmem_shared>>) dst(%dma_wait3A_74 : memref<8x4096xf32, #tpu.memory_space<hbm>>)
    %add3A_79 = arith.constant 120 : i32
    %add3A_80 = arith.addi %mul3A_5, %add3A_79 : i32
    %dma_wait3A_81 = arith.constant 1 : i32
    %dma_wait3A_82 = arith.constant 0 : i32
    %dma_wait3A_83 = tpu.memref_slice %arg4[%add3A_80, %dma_wait3A_82] : memref<4096x4096xf32, #tpu.memory_space<hbm>> -> memref<8x4096xf32, #tpu.memory_space<hbm>>
    %dma_wait3A_84 = arith.constant 0 : i32
    %dma_wait3A_85 = arith.constant 0 : i32
    %dma_wait3A_86 = tpu.memref_slice %arg6[%arg1, %dma_wait3A_81, %dma_wait3A_84, %dma_wait3A_85] : memref<16x2x8x4096xf32, #tpu.memory_space<vmem_shared>> -> memref<1x1x8x4096xf32, #tpu.memory_space<vmem_shared>>
    %dma_wait3A_87 = tpu.memref_squeeze %dma_wait3A_86 : memref<1x1x8x4096xf32, #tpu.memory_space<vmem_shared>> -> memref<8x4096xf32, #tpu.memory_space<vmem_shared>>
    tpu.wait_dma2 semaphore(%arg10 : memref<!tpu.dma_semaphore, #tpu.memory_space<semaphore_mem>>) src(%dma_wait3A_87 : memref<8x4096xf32, #tpu.memory_space<vmem_shared>>) dst(%dma_wait3A_83 : memref<8x4096xf32, #tpu.memory_space<hbm>>)
    return
  }
}

</mosaic_0001>

<sc_bundles>
// kernel: kernel.3.cloned.1.call-start
scs
__scs_entry_jumppad:
0x0: {  	(pc) =	sbr.rel $0x88, $3  }
0x1: {  	(tag) =	ssettag $0x0;
	lr =	simm.s32 $0x1  }
0x2: {  	[smem:$0x3F9F] =	sst lr;
	_ =	strace $0xD0000000  }
0x3: {  	_ = 	snop  }
0x4: {  	_ = 	snop  }
0x5: {  	_ = 	snop  }
0x6: {  	_ = 	snop  }
0x7: {  	_ = 	snop  }
__scs_overlays_trampoline_lowered:
0x8: {  	[smem:$0x3FAE] =	sst s0  }
0x9: {  	[smem:$0x3FAF] =	sst s1  }
0xa: {  	[smem:$0x3FB0] =	sst s2  }
0xb: {  	[smem:$0x3FB1] =	sst s3  }
0xc: {  	[smem:$0x3FB2] =	sst s4  }
0xd: {  	[smem:$0x3FB3] =	sst s5  }
0xe: {  	[smem:$0x3FB4] =	sst s6  }
0xf: {  	[smem:$0x3FB5] =	sst s7  }
0x10: {  	[smem:$0x3FB6] =	sst s8  }
0x11: {  	[smem:$0x3FB7] =	sst s9;
	s0 =	simm.s32 @!p0 $0x0  }
0x12: {  	s1 =	sld [smem:$0x3F9D];
	s0 =	simm.s32 @p0 $0x1  }
0x13: {  	[smem:$0x3FB8] =	sst s0;
	s0 =	simm.s32 @!p1 $0x0  }
0x14: {  	s2 =	sld [smem:$0x3F9C];
	s0 =	simm.s32 @p1 $0x1  }
0x15: {  	[smem:$0x3FB9] =	sst s0;
	s0 =	simm.s32 @!p2 $0x0  }
0x16: {  	s3 =	sld [smem:$0x3FDB];
	s0 =	simm.s32 @p2 $0x1  }
0x17: {  	s4 =	simm.s32 $0x1BF5;
	[smem:$0x3FBB] =	sst s0  }
0x18: {  	s0 =	sld [smem:$0x3F9E];
	_ =	swait.ge [sflag:s4], $0x0  }
0x19: {  	s7 =	sld [smem:$0x3F9F]  }
0x1a: {  	s8 =	sadd.s32 $0xFFFFE003, lr  }
0x1b: {  	s9 =	sadd.s32 $0xFFFFFEF7, lr;
	s5 =	simm.s32 $0xFFFFFFFF;
	p2 =	slt.u32 s8, $0xFFFFF086  }
0x1c: {  	p1 =	slt.u32 s9, $0xF7A;
	s5 =	simm.s32 @!p2 $0x0  }
0x1d: {  	s5 =	simm.s32 @p1 $0x1;
	p0 =	seq.s32 s7, s2  }
0x1e: {  	s7 =	smul.u32 @!p0 $0xF7A, s2;
	p2 =	seq.s32 @!p0 s5, $0x0  }
0x1f: {  	s9 =	smul.u32 $0xF7A, s1;
	s8 =	simm.s32 @!p0 $0x1BF5;
	p2 =	por !p2, p0  }
0x20: {  	[sflag:s8] =	ssyncset.s32 @!p0 $0xFFFFF086;
	s6 =	sadd.s32 @!p0 s3, s7;
	s7 =	simm.s32 @!p0 $0x108  }
0x21: {  	s3 =	sadd.s32 s3, s9;
	s6 =	sadd.s32 @!p0 $0x88, s6;
	s7 =	simm.s32 @p2 $0x1082  }
0x22: {  	[simem:s7], [sflag:s8] =	dma.local @!p0 [hbm:s6], $0xF7A  }
0x23: {  	s9 =	sor.u32 $0xD0000000, s2;
	s6 =	simm.s32 $0x108;
	_ =	swait.ge @!p0 [sflag:s8], $0x0  }
0x24: {  	s3 =	sadd.s32 $0x88, s3;
	s6 =	simm.s32 @!p1 $0x1082;
	[sflag:s4] =	ssyncset.s32 $0xFFFFF086  }
0x25: {  	[simem:s6], [sflag:s4] =	dma.local [hbm:s3], $0xF7A  }
0x26: {  	[smem:$0x3F9F] =	sst s1;
	(tag) =	ssettag s2;
	_ =	strace s9  }
0x27: {  	s1 =	sld [smem:$0x3FAF]  }
0x28: {  	s2 =	sld [smem:$0x3FB0]  }
0x29: {  	s4 =	sld [smem:$0x3FB2]  }
0x2a: {  	p0 =	seq.s32 s5, $0x0;
	s5 =	sld [smem:$0x3FB3]  }
0x2b: {  	s6 =	sld [smem:$0x3FB4]  }
0x2c: {  	s7 =	sld [smem:$0x3FB5]  }
0x2d: {  	s3 =	simm.s32 $0x108;
	s8 =	sld [smem:$0x3FB6]  }
0x2e: {  	s3 =	simm.s32 @!p0 $0x1082;
	s9 =	sld [smem:$0x3FB7]  }
0x2f: {  	lr =	sadd.s32 s0, s3;
	s0 =	sld [smem:$0x3FAE]  }
0x30: {  	s3 =	sld [smem:$0x3FB1]  }
0x31: {  	[smem:$0x3FBA] =	sst s10  }
0x32: {  	s10 =	sld [smem:$0x3FB8];
	_ =	sdelay $0x3  }
0x33: {  	p0 =	seq.s32 s10, $0x1;
	s10 =	sld [smem:$0x3FBA];
	_ =	sdelay $0x3  }
0x34: {  	[smem:$0x3FBA] =	sst s10  }
0x35: {  	s10 =	sld [smem:$0x3FB9];
	_ =	sdelay $0x3  }
0x36: {  	p1 =	seq.s32 s10, $0x1;
	s10 =	sld [smem:$0x3FBA];
	_ =	sdelay $0x3  }
0x37: {  	[smem:$0x3FBA] =	sst s10  }
0x38: {  	s10 =	sld [smem:$0x3FBB]  }
0x39: {  	_ = 	snop;
	(pc) =	sbr.ind lr, $3  }
0x3a: {  	_ = 	snop  }
0x3b: {  	_ = 	snop  }
0x3c: {  	p2 =	seq.s32 s10, $0x1;
	s10 =	sld [smem:$0x3FBA]  }
0x3d: {  	_ =	shalt  }
0x3e: {  	_ =	shalt  }
0x3f: {  	_ =	shalt  }
0x40: {  	_ =	shalt  }
0x41: {  	_ =	shalt  }
0x42: {  	_ =	shalt  }
0x43: {  	_ =	shalt  }
0x44: {  	_ =	shalt  }
0x45: {  	_ =	shalt  }
0x46: {  	_ =	shalt  }
0x47: {  	_ =	shalt  }
0x48: {  	_ =	shalt  }
0x49: {  	_ =	shalt  }
0x4a: {  	_ =	shalt  }
0x4b: {  	_ =	shalt  }
0x4c: {  	_ =	shalt  }
0x4d: {  	_ =	shalt  }
0x4e: {  	_ =	shalt  }
0x4f: {  	_ =	shalt  }
0x50: {  	_ =	shalt  }
0x51: {  	_ =	shalt  }
0x52: {  	_ =	shalt  }
0x53: {  	_ =	shalt  }
0x54: {  	_ =	shalt  }
0x55: {  	_ =	shalt  }
0x56: {  	_ =	shalt  }
0x57: {  	_ =	shalt  }
0x58: {  	_ =	shalt  }
0x59: {  	_ =	shalt  }
0x5a: {  	_ =	shalt  }
0x5b: {  	_ =	shalt  }
0x5c: {  	_ =	shalt  }
0x5d: {  	_ =	shalt  }
0x5e: {  	_ =	shalt  }
0x5f: {  	_ =	shalt  }
0x60: {  	_ =	shalt  }
0x61: {  	_ =	shalt  }
0x62: {  	_ =	shalt  }
0x63: {  	_ =	shalt  }
0x64: {  	_ =	shalt  }
0x65: {  	_ =	shalt  }
0x66: {  	_ =	shalt  }
0x67: {  	_ =	shalt  }
0x68: {  	_ =	shalt  }
0x69: {  	_ =	shalt  }
0x6a: {  	_ =	shalt  }
0x6b: {  	_ =	shalt  }
0x6c: {  	_ =	shalt  }
0x6d: {  	_ =	shalt  }
0x6e: {  	_ =	shalt  }
0x6f: {  	_ =	shalt  }
0x70: {  	_ =	shalt  }
0x71: {  	_ =	shalt  }
0x72: {  	_ =	shalt  }
0x73: {  	_ =	shalt  }
0x74: {  	_ =	shalt  }
0x75: {  	_ =	shalt  }
0x76: {  	_ =	shalt  }
0x77: {  	_ =	shalt  }
0x78: {  	_ =	shalt  }
0x79: {  	_ =	shalt  }
0x7a: {  	_ =	shalt  }
0x7b: {  	_ =	shalt  }
0x7c: {  	_ =	shalt  }
0x7d: {  	_ =	shalt  }
0x7e: {  	_ =	shalt  }
0x7f: {  	_ =	shalt  }
0x80: {  	_ =	shalt  }
0x81: {  	_ =	shalt  }
0x82: {  	_ =	shalt  }
0x83: {  	_ =	shalt  }
0x84: {  	_ =	shalt  }
0x85: {  	_ =	shalt  }
0x86: {  	_ =	shalt  }
0x87: {  	_ =	shalt  }
.Lfunc_end0:
.L_simem_size_0:
called_computation_lowered:
.L_overlay_start_0:
0x88: {  	s2 =	sld [smem:$0x3FD9]  }
0x89: {  	s3 =	sld [smem:$0x3FFE];
	_ =	sdelay $0x1  }
0x8a: {  	s1 =	srdreg.scid  }
0x8b: {  	s0 =	sand.u32 $0x1, s1  }
0x8c: {  	s18 =	sshll.u32 s0, $0xA;
	s2 =	sadd.s32 s3, s2  }
0x8d: {  	s2 =	sadd.s32 s2, s18  }
0x8e: {  	[smem:$0x3FC6] =	sst s2  }
0x8f: {  	_ = 	snop  }
0x90: {  	s2 =	sld [smem:$0x3FC9]  }
0x91: {  	s19 =	sld [smem:$0x3FC8]  }
0x92: {  	s4 =	sld [smem:$0x3FD0];
	(tm) =	ssettm $0x1  }
0x93: {  	s5 =	sld [smem:$0x3FFB];
	_ =	sdelay $0x3  }
0x94: {  	_ =	strace s5  }
0x95: {  	s5 =	sld [smem:$0x3FFC];
	_ =	sdelay $0x3  }
0x96: {  	_ =	strace s5  }
0x97: {  	s5 =	sld [smem:$0x3FFD];
	_ =	sdelay $0x3  }
0x98: {  	_ =	strace s5  }
0x99: {  	_ =	strace $0x8FFFFFFF  }
0x9a: {  	s20 =	sld [smem:$0x3FDB];
	_ =	sdelay $0x1  }
0x9b: {  	s6 =	simm.s32 $_scs_section_size  }
0x9c: {  	s7 =	simm.s32 $_size__tile_overlayer_lowered;
	s8 =	simm.s32 $_tile_overlayer_lowered  }
0x9d: {  	s23 =	simm.s32 $0x1BFF;
	s22 =	sshll.u32 s8, $0x1;
	s5 =	sadd.s32 s6, s20  }
0x9e: {  	s9 =	simm.s32 $0x0;
	s21 =	sshll.u32 s7, $0x1;
	s7 =	sadd.s32 s22, s5  }
0x9f: {  	[timem:s9], [sflag:s23] =	dma.local [hbm:s7], s21  }
0xa0: {  	_ =	swait.ge [sflag:s23], s21  }
0xa1: {  	s6 =	ssub.s32 $0x0, s21;
	[sflag:s23] =	ssyncset.done $0x0  }
0xa2: {  	[sflag:s23] =	ssyncadd.s32 s6;
	_ =	sdelay $0x1  }
0xa3: {  	s24 =	simm.s32 $0x1B8B  }
0xa4: {  	_ =	swait.ge [sflag:s24], $0x1  }
0xa5: {  	[sflag:s24] =	ssyncset.done $0x0  }
0xa6: {  	s25 =	simm.s32 $0x1B8E;
	[sflag:s24] =	ssyncadd.s32 $0xFFFFFFFF  }
0xa7: {  	s26 =	simm.s32 $execute0_lowered;
	[smem:$0x3FD2] =	sst s25  }
0xa8: {  	s6 =	sshll.u32 s26, $0x1;
	_ =	strace $0x80000046;
	[dreg:$0x1] =	wrdreg $0xFFFFFFFF  }
0xa9: {  	s28 =	simm.s32 $_size_execute0_lowered;
	s5 =	sadd.s32 s5, s6;
	[dreg:$0x0] =	wrdreg $0x0  }
0xaa: {  	s6 =	sshll.u32 s28, $0x1;
	[dreg:$0x2] =	wrdreg s5  }
0xab: {  	[dreg:$0x3] =	wrdreg s6  }
0xac: {  	[dreg:$0x4] =	wrdreg $0xC0  }
0xad: {  	_ =	task [dreg:s9], $0x5FFFF  }
0xae: {  	[dreg:$0x1] =	wrdreg $0xFFFFFFFF  }
0xaf: {  	[dreg:$0x0] =	wrdreg $0x60  }
0xb0: {  	[dreg:$0x2] =	wrdreg s19  }
0xb1: {  	[dreg:$0x3] =	wrdreg s2  }
0xb2: {  	[dreg:$0x4] =	wrdreg s4  }
0xb3: {  	[dreg:$0x5] =	wrdreg $0x800  }
0xb4: {  	[dreg:$0x6] =	wrdreg $0x9  }
0xb5: {  	_ =	task.clear_ibuf [dreg:s9], $0x7FFFF;
	_ =	strace $0x90000046  }
0xb6: {  	s29 =	simm.s32 $0x9;
	_ =	strace $0x80000048  }
0xb7: {  	_ =	swait.ge [sflag:s29], $0x1  }
0xb8: {  	[sflag:s29] =	ssyncadd.s32 $0xFFFFFFFF  }
0xb9: {  	_ =	strace $0x90000048  }
0xba: {  	_ =	sfence  }
0xbb: {  	s30 =	sld [smem:$0x0];
	_ =	sdelay $0x2  }
0xbc: {  	s31 =	sshll.u32 s1, $0xD;
	s1 =	sshrl.u32 s1, $0x2  }
0xbd: {  	s3 =	sand.u32 $0x4000, s31;
	s1 =	sadd.s32 s1, s30  }
0xbe: {  	s0 =	sor.u32 s3, s0;
	s1 =	sshll.u32 s1, $0x11  }
0xbf: {  	s0 =	sor.u32 s1, s0  }
0xc0: {  	s0 =	sadd.s32 $0x8F2B, s0  }
0xc1: {  	[sflag:s0] =	ssyncadd.remote.s32 $0x1  }
0xc2: {  	_ =	sfence.sel $0xFFFF  }
0xc3: {  	[dreg:$0x0] =	wrdreg $0xFFFFFFFF;
	(pc) =	sbr.abs _section_cstart, $3  }
0xc4: {  	[dreg:$0x1] =	wrdreg $0xFFFFFFFF  }
0xc5: {  	_ =	task.clear_ibuf [dreg:s9], $0x2FFFF;
	_ =	strace $0x9FFFFFFF  }
0xc6: {  	(tm) =	ssettm $0x7FFFFFFF  }
0xc7: {  	_ =	shalt  }
tec
execute0_lowered:
.L_overlay_start_1:
0x0: {  	(tag) =	ssettag $0x1  }
0x1: {  	s1 =	rddreg [dreg:$0x0]  }
0x2: {  	s2 =	rddreg [dreg:$0x1]  }
0x3: {  	s11 =	rddreg [dreg:$0x2]  }
0x4: {  	s6 =	rddreg [dreg:$0x3]  }
0x5: {  	s0 =	rddreg [dreg:$0x4];
	s3 =	simm.s32 $0x0  }
0x6: {  	s4 =	srdreg.scid;
	s17 =	simm.s32 $0x1;
	s19 =	simm.s32 $0x2  }
0x7: {  	s21 =	simm.s32 $0x3;
	s22 =	simm.s32 $0x4;
	s23 =	simm.s32 $0x0  }
0x8: {  	[smem:$0x7FF] =	sst s3;
	s7 =	sand.u32 $0x1, s4;
	s4 =	stileid.u32  }
0x9: {  	_ =	strace $0x80000047;
	s8 =	ssub.s32 $0x2, s7;
	s5 =	sshll.u32 s4, $0x8  }
0xa: {  	s9 =	sshll.u32 s7, $0x7;
	s10 =	sshll.u32 s4, $0x10;
	s30 =	sshll.u32 s4, $0x11  }
0xb: {  	s31 =	sshll.u32 s7, $0x10;
	s20 =	sshll.u32 s4, $0x6;
	s12 =	sshrl.u32 s8, $0x1  }
0xc: {  	s5 =	sor.u32 s9, s5;
	s14 =	sadd.s32 s10, s6;
	s9 =	sor.u32 s31, s30  }
0xd: {  	s13 =	sor.u32 $0x1C01, s20;
	s15 =	sor.u32 $0x1C02, s20;
	s18 =	sor.u32 $0x1C03, s20  }
0xe: {  	s20 =	sor.u32 $0x1C04, s20;
	s28 =	ssub.s32 s8, s12;
	s16 =	sadd.s32 $0x8000, s14  }
0xf: {  	s29 =	sshll.u32 s5, $0x9;
	s7 =	sor.u32 $0x8, s5;
	s12 =	simm.s32 $0x5  }
0x10: {  	s14 =	sshrl.u32 s14, $0x3;
	s6 =	sadd.s32 s11, s29;
	s10 =	smax.u32 s28, $0x1  }
0x11: {  	s11 =	sadd.s32 s11, s9;
	s16 =	sshrl.u32 s16, $0x3;
	s8 =	sadd.s32 $0xF000, s6  }
.LBB2_1:
0x12: {  	[tilespmem:s3], [sflag:$0x5] =	stream.linear.gather [hbm4b:s1+s3], $0x1, $0x38;
	[tilespmem:$0x10080] =	vst v63  }
0x13: {  	_ =	swait.ge [sflag:s12], $0x1  }
0x14: {  	[sflag:s12] =	ssyncset.done $0x0  }
0x15: {  	[sflag:s12] =	ssyncadd.s32 $0xFFFFFFFF  }
0x16: {  	v0 =	vld [tilespmem:$0x0];
	_ =	sdelay $0x4  }
0x17: {  	(v2sf) =	vpush v0, $0x0;
	_ =	sdelay $0xe  }
0x18: {  	s24 =	spop (v2sf)  }
0x19: {  	s25 =	sadd.s32 $0xFFFFF000, s24  }
0x1a: {  	s26 =	sadd.s32 s5, s25;
	s25 =	sadd.s32 s25, s7  }
0x1b: {  	s26 =	sshll.u32 s26, $0x9;
	s25 =	sshll.u32 s25, $0x9  }
0x1c: {  	s26 =	sand.u32 $0xFFFF000, s26;
	s25 =	sand.u32 $0xFFFF000, s25  }
0x1d: {  	s26 =	sadd.s32 s2, s26;
	s25 =	sadd.s32 s2, s25  }
0x1e: {  	[spmem:s14], [sflag:s13] =	dma.local [hbm:s26], $0x1000  }
0x1f: {  	[spmem:s16], [sflag:s15] =	dma.local [hbm:s25], $0x1000  }
0x20: {  	_ =	swait.ge [sflag:s17], $0x1000  }
0x21: {  	[sflag:s17] =	ssyncset.done $0x0  }
0x22: {  	[sflag:s17] =	ssyncadd.s32 $0xFFFFF000  }
0x23: {  	[hbm:s6], [sflag:s18] =	dma.local [spmem:s14], $0x1000  }
0x24: {  	s24 =	sshll.u32 s24, $0x9;
	_ =	swait.ge [sflag:s19], $0x1000  }
0x25: {  	s30 =	sadd.s32 $0x0, s11;
	s24 =	sadd.s32 s24, s9;
	[sflag:s19] =	ssyncset.done $0x0  }
0x26: {  	s31 =	sadd.s32 $0x1000, s30;
	s28 =	sadd.s32 $0x0, s24;
	[sflag:s19] =	ssyncadd.s32 $0xFFFFF000  }
0x27: {  	[hbm:s31], [sflag:s20] =	dma.local [spmem:s16], $0x1000  }
0x28: {  	s29 =	sadd.s32 $0xFFE02000, s28;
	_ =	swait.ge [sflag:s21], $0x1000  }
0x29: {  	s26 =	sand.u32 $0xFFFF000, s29;
	[sflag:s21] =	ssyncset.done $0x0  }
0x2a: {  	s26 =	sadd.s32 s2, s26;
	[sflag:s21] =	ssyncadd.s32 $0xFFFFF000  }
0x2b: {  	[spmem:s14], [sflag:s13] =	dma.local [hbm:s26], $0x1000  }
0x2c: {  	_ =	swait.ge [sflag:s17], $0x1000  }
0x2d: {  	[sflag:s17] =	ssyncset.done $0x0  }
0x2e: {  	s25 =	sadd.s32 $0x2000, s30;
	[sflag:s17] =	ssyncadd.s32 $0xFFFFF000  }
0x2f: {  	[hbm:s25], [sflag:s18] =	dma.local [spmem:s14], $0x1000  }
0x30: {  	s30 =	sadd.s32 $0xFFE03000, s28;
	_ =	swait.ge [sflag:s22], $0x1000  }
0x31: {  	s31 =	sand.u32 $0xFFFF000, s30;
	[sflag:s22] =	ssyncset.done $0x0  }
0x32: {  	s26 =	sadd.s32 s2, s31;
	s25 =	simm.s32 $0x2000;
	[sflag:s22] =	ssyncadd.s32 $0xFFFFF000  }
.LBB2_2:
0x33: {  	[spmem:s16], [sflag:s15] =	dma.local [hbm:s26], $0x1000  }
0x34: {  	s26 =	smov.u32 s25  }
0x35: {  	p0 =	sne.s32 s25, $0xC000;
	s25 =	sadd.s32 $0x2000, s25;
	_ =	swait.ge [sflag:s19], $0x1000  }
0x36: {  	s28 =	sadd.s32 s26, s11;
	[sflag:s19] =	ssyncset.done $0x0  }
0x37: {  	s26 =	sadd.s32 s26, s24;
	s29 =	sadd.s32 $0x1000, s28;
	[sflag:s19] =	ssyncadd.s32 $0xFFFFF000  }
0x38: {  	[hbm:s29], [sflag:s20] =	dma.local [spmem:s16], $0x1000  }
0x39: {  	s29 =	sadd.s32 $0xFFE02000, s26;
	s26 =	sadd.s32 $0xFFE03000, s26;
	_ =	swait.ge [sflag:s21], $0x1000  }
0x3a: {  	s29 =	sand.u32 $0xFFFF000, s29;
	s26 =	sand.u32 $0xFFFF000, s26;
	[sflag:s21] =	ssyncset.done $0x0  }
0x3b: {  	s29 =	sadd.s32 s2, s29;
	[sflag:s21] =	ssyncadd.s32 $0xFFFFF000  }
0x3c: {  	[spmem:s14], [sflag:s13] =	dma.local [hbm:s29], $0x1000  }
0x3d: {  	_ =	swait.ge [sflag:s17], $0x1000  }
0x3e: {  	[sflag:s17] =	ssyncset.done $0x0  }
.Ltmp0:
0x3f: {  	s28 =	sadd.s32 $0x2000, s28;
	[sflag:s17] =	ssyncadd.s32 $0xFFFFF000;
	(pc) =	sbr.rel @p0 .LBB2_2-.Ltmp0, $4  }
0x40: {  	[hbm:s28], [sflag:s18] =	dma.local [spmem:s14], $0x1000  }
0x41: {  	_ =	swait.ge [sflag:s22], $0x1000  }
0x42: {  	[sflag:s22] =	ssyncset.done $0x0  }
0x43: {  	s26 =	sadd.s32 s2, s26;
	[sflag:s22] =	ssyncadd.s32 $0xFFFFF000  }
0x44: {  	[spmem:s16], [sflag:s15] =	dma.local [hbm:s26], $0x1000  }
0x45: {  	_ =	swait.ge [sflag:s19], $0x1000  }
0x46: {  	[sflag:s19] =	ssyncset.done $0x0  }
0x47: {  	s23 =	sadd.s32 $0x1, s23;
	[sflag:s19] =	ssyncadd.s32 $0xFFFFF000  }
0x48: {  	[hbm:s8], [sflag:s20] =	dma.local [spmem:s16], $0x1000  }
0x49: {  	p0 =	sne.s32 s23, s10;
	_ =	swait.ge [sflag:s21], $0x1000  }
.Ltmp1:
0x4a: {  	[sflag:s21] =	ssyncset.done $0x0;
	(pc) =	sbr.rel @p0 .LBB2_1-.Ltmp1, $4  }
0x4b: {  	[sflag:s21] =	ssyncadd.s32 $0xFFFFF000  }
0x4c: {  	_ =	swait.ge [sflag:s22], $0x1000  }
0x4d: {  	[sflag:s22] =	ssyncset.done $0x0  }
0x4e: {  	[sflag:s22] =	ssyncadd.s32 $0xFFFFF000  }
0x4f: {  	_ =	sfence.sel $0x180000  }
0x50: {  	[bflag:$0x0] =	sbarrier.arrive $0xFFFF  }
0x51: {  	p0 =	sne.s32 s4, $0x0;
	_ =	strace $0x90000047  }
0x52: {  	s0 =	sadd.s32 @!p0 $0x100000, s0;
	[bflag:$0x2] =	sbarrier.arrive $0xFFFF  }
0x53: {  	[sflag:s0] =	ssyncadd.tile.s32 @!p0 $0x1;
	_ =	shalt  }
.Lfunc_end2:
_tile_overlayer_lowered:
.L_overlay_start_2:
0x54: {  	(tag) =	ssettag $0x2  }
0x55: {  	s0 =	rddreg [dreg:$0x0];
	s2 =	stileid.u32  }
0x56: {  	s1 =	rddreg [dreg:$0x1];
	p0 =	sne.s32 s2, $0x0  }
0x57: {  	s3 =	rddreg [dreg:$0x2];
	[bflag:$0x3] =	sbarrier.arrive $0xFFFF;
	s2 =	simm.s32 @!p0 $0x1C05  }
0x58: {  	[timem:s3], [sflag:s2] =	dma.local @!p0 [hbm:s0], s1  }
0x59: {  	s0 =	simm.s32 @!p0 $0x5  }
0x5a: {  	_ =	swait.ge @!p0 [sflag:s0], s1  }
0x5b: {  	s1 =	ssub.s32 @!p0 $0x0, s1;
	[sflag:s0] =	ssyncset.done @!p0 $0x0  }
0x5c: {  	[sflag:s0] =	ssyncadd.s32 @!p0 s1  }
0x5d: {  	[bflag:$0x3] =	sbarrier.arrive $0xFFFF  }
0x5e: {  	_ =	shalt  }

</sc_bundles>
